<compile_context>
chip_gen: v7x
topology: tpu7x:2x2x1
jax: 0.10.2.dev20260603
libtpu: 0.0.44.dev20260713+nightly
codegen_flags: <defaults>
</compile_context>

<pallas_src>
import jax
import jax.numpy as jnp
from jax import lax
from jax.experimental import pallas as pl
from jax.experimental.pallas import tpu as pltpu
from jax.experimental.pallas import tpu_sc as plsc


def _prep_body(c_ref, wd_ref, bd_ref, d_ref, cn_ref):
    c = c_ref[...]
    d_ref[...] = (
        jnp.dot(
            c.astype(jnp.bfloat16),
            wd_ref[...].astype(jnp.bfloat16),
            preferred_element_type=jnp.float32,
        )
        + bd_ref[...]
    )
    cn_ref[...] = jnp.sum(c * c, axis=1, keepdims=True)


def _align_body(x_ref, we_ref, be_ref, ct_ref, cn_ref, out_ref):
    x_enc = (
        jnp.dot(
            x_ref[...].astype(jnp.bfloat16),
            we_ref[...].astype(jnp.bfloat16),
            preferred_element_type=jnp.float32,
        )
        + be_ref[...]
    )
    xn = jnp.sum(x_enc * x_enc, axis=1, keepdims=True)
    cross = jnp.dot(
        (x_enc * (-2.0)).astype(jnp.bfloat16),
        ct_ref[...].astype(jnp.bfloat16),
        preferred_element_type=jnp.float32,
    )
    dist = (cross + xn) + cn_ref[...]
    m = jnp.min(dist, axis=1, keepdims=True)
    iota = lax.broadcasted_iota(jnp.int32, dist.shape, 1)
    cand = jnp.where(dist == m, iota, jnp.int32(dist.shape[1]))
    out_ref[0, 0, :] = jnp.min(cand, axis=1)


def _sc_gather(table, idx_rows, n, d_out):
    units = 32
    per_unit = n // units
    chunk = 128
    n_chunks = per_unit // chunk
    mesh = plsc.VectorSubcoreMesh(core_axis_name="core", subcore_axis_name="subcore")

    @pl.kernel(
        out_type=jax.ShapeDtypeStruct((n, d_out), table.dtype),
        mesh=mesh,
        scratch_types=[
            pltpu.VMEM((1, per_unit), jnp.int32),
            pltpu.VMEM((chunk, d_out), jnp.float32),
        ],
    )
    def gather_kernel(d_hbm, i_hbm, o_hbm, idx_ref, buf_ref):
        core = jax.lax.axis_index("core")
        sub = jax.lax.axis_index("subcore")
        unit = core * 16 + sub
        pltpu.sync_copy(i_hbm.at[pl.ds(unit, 1)], idx_ref)

        @pl.loop(0, n_chunks)
        def _(c):
            pltpu.sync_copy(d_hbm.at[idx_ref.at[0, pl.ds(c * chunk, chunk)]], buf_ref)
            pltpu.sync_copy(buf_ref, o_hbm.at[pl.ds(unit * per_unit + c * chunk, chunk)])

    return gather_kernel(table, idx_rows)


def kernel(x, W_enc, b_enc, centroids, W_dec, b_dec):
    b, t, d_in = x.shape
    k, d_code = centroids.shape
    d_out = W_dec.shape[1]
    n = b * t
    tm = 256
    grid = n // tm

    flat_x = x.reshape(n, d_in)
    ct = centroids.T

    kt = 1024
    decoded, cnorm = pl.pallas_call(
        _prep_body,
        grid=(k // kt,),
        in_specs=[
            pl.BlockSpec((kt, d_code), lambda i: (i, 0)),
            pl.BlockSpec((d_code, d_out), lambda i: (0, 0)),
            pl.BlockSpec((1, d_out), lambda i: (0, 0)),
        ],
        out_specs=[
            pl.BlockSpec((kt, d_out), lambda i: (i, 0)),
            pl.BlockSpec((kt, 1), lambda i: (i, 0)),
        ],
        out_shape=[
            jax.ShapeDtypeStruct((k, d_out), jnp.float32),
            jax.ShapeDtypeStruct((k, 1), jnp.float32),
        ],
    )(centroids, W_dec, b_dec.reshape(1, d_out))

    align = pl.pallas_call(
        _align_body,
        grid=(grid,),
        in_specs=[
            pl.BlockSpec((tm, d_in), lambda i: (i, 0)),
            pl.BlockSpec((d_in, d_code), lambda i: (0, 0)),
            pl.BlockSpec((1, d_code), lambda i: (0, 0)),
            pl.BlockSpec((d_code, k), lambda i: (0, 0)),
            pl.BlockSpec((1, k), lambda i: (0, 0)),
        ],
        out_specs=pl.BlockSpec((1, 1, tm), lambda i: (i, 0, 0)),
        out_shape=jax.ShapeDtypeStruct((grid, 1, tm), jnp.int32),
        compiler_params=pltpu.CompilerParams(
            dimension_semantics=("arbitrary",),
        ),
    )(flat_x, W_enc, b_enc.reshape(1, d_code), ct, cnorm.reshape(1, k))

    out = _sc_gather(decoded, align.reshape(32, n // 32), n, d_out)
    return out.reshape(b, t, d_out)

# --- scband reference (transcript-rebuilt; emitter-appended) ---
"""Pipeline reference for scband-vqvae-68255620268373 (READ-ONLY COPY).

The authoritative reference and input builder live on the scoring server;
editing this copy changes nothing except your own understanding.
"""

import jax, jax.numpy as jnp
import numpy as np


def setup_inputs(seed: int = 0) -> dict:
    key = jax.random.key(seed)
    ks = jax.random.split(key, 6)
    B, T, Din, Dcode, K, Dout = 16, 1024, 512, 256, 8192, 512
    return {
        "x": jax.random.normal(ks[0], (B, T, Din), dtype=jnp.float32),
        "W_enc": jax.random.normal(ks[1], (Din, Dcode), dtype=jnp.float32) * 0.02,
        "b_enc": jnp.zeros((Dcode,), dtype=jnp.float32),
        "centroids": jax.random.normal(ks[2], (K, Dcode), dtype=jnp.float32),
        "W_dec": jax.random.normal(ks[3], (Dcode, Dout), dtype=jnp.float32) * 0.02,
        "b_dec": jnp.zeros((Dout,), dtype=jnp.float32),
    }


def pairwise_euclidean_distance(x, y):
    cross_term = -2.0 * (x @ y.T)
    x_term = (x * x).sum(1)[:, None]
    y_term = (y * y).sum(1)[None, :]
    return cross_term + x_term + y_term


def reference(x, W_enc, b_enc, centroids, W_dec, b_dec):
    # encoder (stand-in linear, matches encoder.output_dim = code_dim)
    x_enc = x @ W_enc + b_enc
    # quantize
    flat = x_enc.reshape(-1, x_enc.shape[-1])
    distances = pairwise_euclidean_distance(flat, centroids)
    alignment = jnp.argmin(distances, axis=1)
    # EuclideanQuantizer: forward returns centroids[alignment];
    # backward passes grad straight through to input, None to centroids.
    q = flat + jax.lax.stop_gradient(centroids[alignment] - flat)
    x_quant = q.reshape(x_enc.shape)
    # decoder (stand-in linear); no speaker embeddings (num_speakers=None)
    x_dec = x_quant @ W_dec + b_dec
    return x_dec

if __name__ == "__main__":
    import jax
    _d = setup_inputs()
    print(jax.jit(kernel)(*tuple(_d.values())))

</pallas_src>

<mosaic_0001>
#map = affine_map<(d0, d1) -> (0, 0)>
module attributes {stable_mosaic.version = 14 : i64} {
  func.func @gather_kernel(%arg0: i32, %arg1: i32, %arg2: memref<8192x512xf32, #tpu.memory_space<hbm>>, %arg3: memref<32x512xi32, #tpu.memory_space<hbm>>, %arg4: memref<16384x512xf32, #tpu.memory_space<hbm>>, %arg5: memref<1x512xi32, #tpu.memory_space<vmem>>, %arg6: memref<128x512xf32, #tpu.memory_space<vmem>>) attributes {dimension_semantics = [#tpu.dimension_semantics<core_parallel>, #tpu.dimension_semantics<subcore_parallel>], iteration_bounds = array<i64: 2, 16>, scalar_prefetch = 0 : i64, scratch_operands = 2 : i64, tpu.core_type = #tpu.core_type<sc_vector_subcore>, window_params = [{transform_indices = #map}, {transform_indices = #map}, {transform_indices = #map}]} {
    %mul3A = arith.constant 16 : i32
    %mul3A_0 = arith.muli %arg0, %mul3A : i32
    %add3A = arith.addi %mul3A_0, %arg1 : i32
    "tpu.region"() ({
      %run_scoped3A = tpu.sem_alloc : memref<!tpu.dma_semaphore, #tpu.memory_space<semaphore_mem>>
      %dma_start3A = arith.constant 0 : i32
      %dma_start3A_5 = tpu.memref_slice %arg3[%add3A, %dma_start3A] : memref<32x512xi32, #tpu.memory_space<hbm>> -> memref<1x512xi32, #tpu.memory_space<hbm>>
      %dma_start3A_6 = arith.constant 0 : i32
      %dma_start3A_7 = tpu.memref_slice %arg3[%add3A, %dma_start3A_6] : memref<32x512xi32, #tpu.memory_space<hbm>> -> memref<1x512xi32, #tpu.memory_space<hbm>>
      tpu.enqueue_dma source(%dma_start3A_7 : memref<1x512xi32, #tpu.memory_space<hbm>>) target(%arg5 : memref<1x512xi32, #tpu.memory_space<vmem>>) target_semaphore(%run_scoped3A : memref<!tpu.dma_semaphore, #tpu.memory_space<semaphore_mem>>)
      %dma_wait3A = arith.constant 0 : i32
      %dma_wait3A_8 = tpu.memref_slice %arg3[%add3A, %dma_wait3A] : memref<32x512xi32, #tpu.memory_space<hbm>> -> memref<1x512xi32, #tpu.memory_space<hbm>>
      %dma_wait3A_9 = arith.constant 0 : i32
      %dma_wait3A_10 = tpu.memref_slice %arg3[%add3A, %dma_wait3A_9] : memref<32x512xi32, #tpu.memory_space<hbm>> -> memref<1x512xi32, #tpu.memory_space<hbm>>
      tpu.wait_dma2 semaphore(%run_scoped3A : memref<!tpu.dma_semaphore, #tpu.memory_space<semaphore_mem>>) src(%dma_wait3A_10 : memref<1x512xi32, #tpu.memory_space<hbm>>) dst(%arg5 : memref<1x512xi32, #tpu.memory_space<vmem>>)
      tpu.yield
    }) : () -> ()
    %scan3A = arith.constant 0 : i32
    %scan3A_1 = arith.constant 4 : i32
    %scan3A_2 = arith.addi %scan3A, %scan3A_1 : i32
    %scan3A_3 = arith.constant 1 : i32
    scf.for %scan3A_5 = %scan3A to %scan3A_2 step %scan3A_3  : i32 {
      %mul3A_6 = arith.constant 1 : i32
      %mul3A_7 = arith.muli %scan3A_5, %mul3A_6 : i32
      %add3A_8 = arith.constant 0 : i32
      %add3A_9 = arith.addi %add3A_8, %mul3A_7 : i32
      %mul3A_10 = arith.constant 128 : i32
      %mul3A_11 = arith.muli %add3A_9, %mul3A_10 : i32
      %run_scoped3A = arith.constant 0 : i32
      "tpu.region"() ({
        %run_scoped3A_17 = tpu.sem_alloc : memref<!tpu.dma_semaphore, #tpu.memory_space<semaphore_mem>>
        %dma_start3A = tpu.memref_slice %arg5[%run_scoped3A, %mul3A_11] : memref<1x512xi32, #tpu.memory_space<vmem>> -> memref<1x128xi32, #tpu.memory_space<vmem>>
        %dma_start3A_18 = tpu.memref_squeeze %dma_start3A : memref<1x128xi32, #tpu.memory_space<vmem>> -> memref<128xi32, #tpu.memory_space<vmem>>
        %dma_start3A_19 = arith.constant 0 : i32
        %dma_start3A_20 = arith.constant 0 : i32
        %dma_start3A_21 = tpu.memref_slice %arg2[%dma_start3A_19, %dma_start3A_20] : memref<8192x512xf32, #tpu.memory_space<hbm>> -> memref<8192x512xf32, #tpu.memory_space<hbm>>
        tpu.enqueue_indirect_dma source(%dma_start3A_21 : memref<8192x512xf32, #tpu.memory_space<hbm>>) target(%arg6 : memref<128x512xf32, #tpu.memory_space<vmem>>) offsets(%dma_start3A_18 : memref<128xi32, #tpu.memory_space<vmem>>) semaphore(%run_scoped3A_17 : memref<!tpu.dma_semaphore, #tpu.memory_space<semaphore_mem>>)
        %dma_wait3A = tpu.memref_slice %arg5[%run_scoped3A, %mul3A_11] : memref<1x512xi32, #tpu.memory_space<vmem>> -> memref<1x128xi32, #tpu.memory_space<vmem>>
        %dma_wait3A_22 = tpu.memref_squeeze %dma_wait3A : memref<1x128xi32, #tpu.memory_space<vmem>> -> memref<128xi32, #tpu.memory_space<vmem>>
        %dma_wait3A_23 = arith.constant 0 : i32
        %dma_wait3A_24 = arith.constant 0 : i32
        %dma_wait3A_25 = tpu.memref_slice %arg2[%dma_wait3A_23, %dma_wait3A_24] : memref<8192x512xf32, #tpu.memory_space<hbm>> -> memref<8192x512xf32, #tpu.memory_space<hbm>>
        tpu.wait_indirect_dma semaphore(%run_scoped3A_17 : memref<!tpu.dma_semaphore, #tpu.memory_space<semaphore_mem>>) src(%dma_wait3A_25 : memref<8192x512xf32, #tpu.memory_space<hbm>>) dst(%arg6 : memref<128x512xf32, #tpu.memory_space<vmem>>)
        tpu.yield
      }) : () -> ()
      %mul3A_12 = arith.constant 512 : i32
      %mul3A_13 = arith.muli %add3A, %mul3A_12 : i32
      %mul3A_14 = arith.constant 128 : i32
      %mul3A_15 = arith.muli %add3A_9, %mul3A_14 : i32
      %add3A_16 = arith.addi %mul3A_13, %mul3A_15 : i32
      "tpu.region"() ({
        %run_scoped3A_17 = tpu.sem_alloc : memref<!tpu.dma_semaphore, #tpu.memory_space<semaphore_mem>>
        %dma_start3A = arith.constant 0 : i32
        %dma_start3A_18 = tpu.memref_slice %arg4[%add3A_16, %dma_start3A] : memref<16384x512xf32, #tpu.memory_space<hbm>> -> memref<128x512xf32, #tpu.memory_space<hbm>>
        %dma_start3A_19 = arith.constant 0 : i32
        %dma_start3A_20 = tpu.memref_slice %arg4[%add3A_16, %dma_start3A_19] : memref<16384x512xf32, #tpu.memory_space<hbm>> -> memref<128x512xf32, #tpu.memory_space<hbm>>
        tpu.enqueue_dma source(%arg6 : memref<128x512xf32, #tpu.memory_space<vmem>>) target(%dma_start3A_20 : memref<128x512xf32, #tpu.memory_space<hbm>>) target_semaphore(%run_scoped3A_17 : memref<!tpu.dma_semaphore, #tpu.memory_space<semaphore_mem>>)
        %dma_wait3A = arith.constant 0 : i32
        %dma_wait3A_21 = tpu.memref_slice %arg4[%add3A_16, %dma_wait3A] : memref<16384x512xf32, #tpu.memory_space<hbm>> -> memref<128x512xf32, #tpu.memory_space<hbm>>
        %dma_wait3A_22 = arith.constant 0 : i32
        %dma_wait3A_23 = tpu.memref_slice %arg4[%add3A_16, %dma_wait3A_22] : memref<16384x512xf32, #tpu.memory_space<hbm>> -> memref<128x512xf32, #tpu.memory_space<hbm>>
        tpu.wait_dma2 semaphore(%run_scoped3A_17 : memref<!tpu.dma_semaphore, #tpu.memory_space<semaphore_mem>>) src(%arg6 : memref<128x512xf32, #tpu.memory_space<vmem>>) dst(%dma_wait3A_23 : memref<128x512xf32, #tpu.memory_space<hbm>>)
        tpu.yield
      }) : () -> ()
    }
    %scan3A_4 = arith.constant 4 : i32
    return
  }
}

module attributes {stable_mosaic.version = 14 : i64} {
  func.func @_prep_body(%arg0: i32, %arg1: memref<1024x256xf32, #tpu.memory_space<vmem>>, %arg2: memref<256x512xf32, #tpu.memory_space<vmem>>, %arg3: memref<1x512xf32, #tpu.memory_space<vmem>>, %arg4: memref<1024x512xf32, #tpu.memory_space<vmem>>, %arg5: memref<1024x1xf32, #tpu.memory_space<vmem>>) attributes {dimension_semantics = [#tpu.dimension_semantics<arbitrary>], iteration_bounds = array<i64: 8>, scalar_prefetch = 0 : i64, scratch_operands = 0 : i64, tpu.core_type = #tpu.core_type<tc>, window_params = [{transform_indices = @transform_0, window_bounds = array<i64: 1024, 256>}, {pipeline_mode = #tpu.pipeline_mode<synchronous>, transform_indices = @transform_1, window_bounds = array<i64: 256, 512>}, {pipeline_mode = #tpu.pipeline_mode<synchronous>, transform_indices = @transform_2, window_bounds = array<i64: 1, 512>}, {transform_indices = @transform_3, window_bounds = array<i64: 1024, 512>}, {transform_indices = @transform_4, window_bounds = array<i64: 1024, 1>}]} {
    %get3A = arith.constant 0 : index
    %get3A_0 = arith.constant 0 : index
    %get3A_1 = vector.load %arg1[%get3A, %get3A_0] : memref<1024x256xf32, #tpu.memory_space<vmem>>, vector<1024x256xf32>
    %convert_element_type3A = arith.truncf %get3A_1 : vector<1024x256xf32> to vector<1024x256xbf16>
    %get3A_2 = arith.constant 0 : index
    %get3A_3 = arith.constant 0 : index
    %get3A_4 = vector.load %arg2[%get3A_2, %get3A_3] : memref<256x512xf32, #tpu.memory_space<vmem>>, vector<256x512xf32>
    %convert_element_type3A_5 = arith.truncf %get3A_4 : vector<256x512xf32> to vector<256x512xbf16>
    %dot_general3A = arith.constant dense<0.000000e+00> : vector<1024x512xf32>
    %dot_general3A_6 = tpu.matmul %convert_element_type3A, %convert_element_type3A_5, %dot_general3A {dimension_numbers = #tpu.dot_dimension_numbers<[1], [0], [0], [1], [0, 0, 1, 1], [], []>, transpose_lhs_hint = false} : vector<1024x256xbf16>, vector<256x512xbf16>, vector<1024x512xf32> -> vector<1024x512xf32>
    %get3A_7 = arith.constant 0 : index
    %get3A_8 = arith.constant 0 : index
    %get3A_9 = vector.load %arg3[%get3A_7, %get3A_8] : memref<1x512xf32, #tpu.memory_space<vmem>>, vector<1x512xf32>
    %add3A = vector.broadcast %get3A_9 : vector<1x512xf32> to vector<1024x512xf32>
    %add3A_10 = arith.addf %dot_general3A_6, %add3A : vector<1024x512xf32>
    %swap3A = arith.constant 0 : index
    %swap3A_11 = arith.constant 0 : index
    %swap3A_12 = vector.load %arg4[%swap3A, %swap3A_11] : memref<1024x512xf32, #tpu.memory_space<vmem>>, vector<1024x512xf32>
    tpu.vector_store %arg4[%swap3A, %swap3A_11], %add3A_10 {strides = array<i32>} : memref<1024x512xf32, #tpu.memory_space<vmem>>, vector<1024x512xf32>,
    %mul3A = arith.mulf %get3A_1, %get3A_1 : vector<1024x256xf32>
    %reduce_sum3A = arith.constant dense<0.000000e+00> : vector<1024xf32>
    %reduce_sum3A_13 = vector.multi_reduction <add>, %mul3A, %reduce_sum3A [1] : vector<1024x256xf32> to vector<1024xf32>
    %broadcast_in_dim3A = vector.shape_cast %reduce_sum3A_13 : vector<1024xf32> to vector<1024x1xf32>
    %swap3A_14 = arith.constant 0 : index
    %swap3A_15 = arith.constant 0 : index
    %swap3A_16 = vector.load %arg5[%swap3A_14, %swap3A_15] : memref<1024x1xf32, #tpu.memory_space<vmem>>, vector<1024x1xf32>
    tpu.vector_store %arg5[%swap3A_14, %swap3A_15], %broadcast_in_dim3A {strides = array<i32>} : memref<1024x1xf32, #tpu.memory_space<vmem>>, vector<1024x1xf32>,
    return
  }
  func.func @transform_0(%arg0: i32) -> (i32, i32) {
    %c0_i32 = arith.constant 0 : i32
    %c0_i32_0 = arith.constant 0 : i32
    return %arg0, %c0_i32 : i32, i32
  }
  func.func @transform_1(%arg0: i32) -> (i32, i32) {
    %c0_i32 = arith.constant 0 : i32
    %c0_i32_0 = arith.constant 0 : i32
    %c0_i32_1 = arith.constant 0 : i32
    return %c0_i32, %c0_i32_0 : i32, i32
  }
  func.func @transform_2(%arg0: i32) -> (i32, i32) {
    %c0_i32 = arith.constant 0 : i32
    %c0_i32_0 = arith.constant 0 : i32
    %c0_i32_1 = arith.constant 0 : i32
    return %c0_i32, %c0_i32_0 : i32, i32
  }
  func.func @transform_3(%arg0: i32) -> (i32, i32) {
    %c0_i32 = arith.constant 0 : i32
    %c0_i32_0 = arith.constant 0 : i32
    return %arg0, %c0_i32 : i32, i32
  }
  func.func @transform_4(%arg0: i32) -> (i32, i32) {
    %c0_i32 = arith.constant 0 : i32
    %c0_i32_0 = arith.constant 0 : i32
    return %arg0, %c0_i32 : i32, i32
  }
}

module attributes {stable_mosaic.version = 14 : i64} {
  func.func @_align_body(%arg0: i32, %arg1: memref<256x512xf32, #tpu.memory_space<vmem>>, %arg2: memref<512x256xf32, #tpu.memory_space<vmem>>, %arg3: memref<1x256xf32, #tpu.memory_space<vmem>>, %arg4: memref<256x8192xf32, #tpu.memory_space<vmem>>, %arg5: memref<1x8192xf32, #tpu.memory_space<vmem>>, %arg6: memref<1x1x256xi32, #tpu.memory_space<vmem>>) attributes {dimension_semantics = [#tpu.dimension_semantics<arbitrary>], iteration_bounds = array<i64: 64>, scalar_prefetch = 0 : i64, scratch_operands = 0 : i64, tpu.core_type = #tpu.core_type<tc>, window_params = [{transform_indices = @transform_0, window_bounds = array<i64: 256, 512>}, {pipeline_mode = #tpu.pipeline_mode<synchronous>, transform_indices = @transform_1, window_bounds = array<i64: 512, 256>}, {pipeline_mode = #tpu.pipeline_mode<synchronous>, transform_indices = @transform_2, window_bounds = array<i64: 1, 256>}, {pipeline_mode = #tpu.pipeline_mode<synchronous>, transform_indices = @transform_3, window_bounds = array<i64: 256, 8192>}, {pipeline_mode = #tpu.pipeline_mode<synchronous>, transform_indices = @transform_4, window_bounds = array<i64: 1, 8192>}, {transform_indices = @transform_5, window_bounds = array<i64: 1, 1, 256>}]} {
    %get3A = arith.constant 0 : index
    %get3A_0 = arith.constant 0 : index
    %get3A_1 = vector.load %arg1[%get3A, %get3A_0] : memref<256x512xf32, #tpu.memory_space<vmem>>, vector<256x512xf32>
    %convert_element_type3A = arith.truncf %get3A_1 : vector<256x512xf32> to vector<256x512xbf16>
    %get3A_2 = arith.constant 0 : index
    %get3A_3 = arith.constant 0 : index
    %get3A_4 = vector.load %arg2[%get3A_2, %get3A_3] : memref<512x256xf32, #tpu.memory_space<vmem>>, vector<512x256xf32>
    %convert_element_type3A_5 = arith.truncf %get3A_4 : vector<512x256xf32> to vector<512x256xbf16>
    %dot_general3A = arith.constant dense<0.000000e+00> : vector<256x256xf32>
    %dot_general3A_6 = tpu.matmul %convert_element_type3A, %convert_element_type3A_5, %dot_general3A {dimension_numbers = #tpu.dot_dimension_numbers<[1], [0], [0], [1], [0, 0, 1, 1], [], []>, transpose_lhs_hint = false} : vector<256x512xbf16>, vector<512x256xbf16>, vector<256x256xf32> -> vector<256x256xf32>
    %get3A_7 = arith.constant 0 : index
    %get3A_8 = arith.constant 0 : index
    %get3A_9 = vector.load %arg3[%get3A_7, %get3A_8] : memref<1x256xf32, #tpu.memory_space<vmem>>, vector<1x256xf32>
    %add3A = vector.broadcast %get3A_9 : vector<1x256xf32> to vector<256x256xf32>
    %add3A_10 = arith.addf %dot_general3A_6, %add3A : vector<256x256xf32>
    %mul3A = arith.mulf %add3A_10, %add3A_10 : vector<256x256xf32>
    %reduce_sum3A = arith.constant dense<0.000000e+00> : vector<256xf32>
    %reduce_sum3A_11 = vector.multi_reduction <add>, %mul3A, %reduce_sum3A [1] : vector<256x256xf32> to vector<256xf32>
    %broadcast_in_dim3A = vector.shape_cast %reduce_sum3A_11 : vector<256xf32> to vector<256x1xf32>
    %mul3A_12 = arith.constant -2.000000e+00 : f32
    %mul3A_13 = vector.broadcast %mul3A_12 : f32 to vector<256x256xf32>
    %mul3A_14 = arith.mulf %add3A_10, %mul3A_13 : vector<256x256xf32>
    %convert_element_type3A_15 = arith.truncf %mul3A_14 : vector<256x256xf32> to vector<256x256xbf16>
    %get3A_16 = arith.constant 0 : index
    %get3A_17 = arith.constant 0 : index
    %get3A_18 = vector.load %arg4[%get3A_16, %get3A_17] : memref<256x8192xf32, #tpu.memory_space<vmem>>, vector<256x8192xf32>
    %convert_element_type3A_19 = arith.truncf %get3A_18 : vector<256x8192xf32> to vector<256x8192xbf16>
    %dot_general3A_20 = arith.constant dense<0.000000e+00> : vector<256x8192xf32>
    %dot_general3A_21 = tpu.matmul %convert_element_type3A_15, %convert_element_type3A_19, %dot_general3A_20 {dimension_numbers = #tpu.dot_dimension_numbers<[1], [0], [0], [1], [0, 0, 1, 1], [], []>, transpose_lhs_hint = false} : vector<256x256xbf16>, vector<256x8192xbf16>, vector<256x8192xf32> -> vector<256x8192xf32>
    %add3A_22 = vector.broadcast %broadcast_in_dim3A : vector<256x1xf32> to vector<256x8192xf32>
    %add3A_23 = arith.addf %dot_general3A_21, %add3A_22 : vector<256x8192xf32>
    %get3A_24 = arith.constant 0 : index
    %get3A_25 = arith.constant 0 : index
    %get3A_26 = vector.load %arg5[%get3A_24, %get3A_25] : memref<1x8192xf32, #tpu.memory_space<vmem>>, vector<1x8192xf32>
    %add3A_27 = vector.broadcast %get3A_26 : vector<1x8192xf32> to vector<256x8192xf32>
    %add3A_28 = arith.addf %add3A_23, %add3A_27 : vector<256x8192xf32>
    %reduce_min3A = arith.constant dense<0x7F800000> : vector<256xf32>
    %reduce_min3A_29 = vector.multi_reduction <minimumf>, %add3A_28, %reduce_min3A [1] : vector<256x8192xf32> to vector<256xf32>
    %broadcast_in_dim3A_30 = vector.shape_cast %reduce_min3A_29 : vector<256xf32> to vector<256x1xf32>
    %iota3A = tpu.iota {dimensions = array<i32: 1>} : vector<256x8192xi32>
    %eq3A = vector.broadcast %broadcast_in_dim3A_30 : vector<256x1xf32> to vector<256x8192xf32>
    %eq3A_31 = arith.cmpf oeq, %add3A_28, %eq3A : vector<256x8192xf32>
    %jit3A = arith.constant 8192 : i32
    %broadcast_in_dim3A_32 = vector.broadcast %jit3A : i32 to vector<256x8192xi32>
    %select_n3A = arith.select %eq3A_31, %iota3A, %broadcast_in_dim3A_32 : vector<256x8192xi1>, vector<256x8192xi32>
    %reduce_min3A_33 = arith.constant dense<2147483647> : vector<256xi32>
    %reduce_min3A_34 = vector.multi_reduction <minsi>, %select_n3A, %reduce_min3A_33 [1] : vector<256x8192xi32> to vector<256xi32>
    %swap3A = arith.constant 0 : index
    %swap3A_35 = arith.constant 0 : index
    %swap3A_36 = arith.constant 0 : index
    %swap3A_37 = vector.load %arg6[%swap3A, %swap3A_35, %swap3A_36] : memref<1x1x256xi32, #tpu.memory_space<vmem>>, vector<1x1x256xi32>
    %swap3A_38 = vector.shape_cast %swap3A_37 : vector<1x1x256xi32> to vector<256xi32>
    %swap3A_39 = vector.shape_cast %reduce_min3A_34 : vector<256xi32> to vector<1x1x256xi32>
    tpu.vector_store %arg6[%swap3A, %swap3A_35, %swap3A_36], %swap3A_39 {strides = array<i32>} : memref<1x1x256xi32, #tpu.memory_space<vmem>>, vector<1x1x256xi32>,
    return
  }
  func.func @transform_0(%arg0: i32) -> (i32, i32) {
    %c0_i32 = arith.constant 0 : i32
    %c0_i32_0 = arith.constant 0 : i32
    return %arg0, %c0_i32 : i32, i32
  }
  func.func @transform_1(%arg0: i32) -> (i32, i32) {
    %c0_i32 = arith.constant 0 : i32
    %c0_i32_0 = arith.constant 0 : i32
    %c0_i32_1 = arith.constant 0 : i32
    return %c0_i32, %c0_i32_0 : i32, i32
  }
  func.func @transform_2(%arg0: i32) -> (i32, i32) {
    %c0_i32 = arith.constant 0 : i32
    %c0_i32_0 = arith.constant 0 : i32
    %c0_i32_1 = arith.constant 0 : i32
    return %c0_i32, %c0_i32_0 : i32, i32
  }
  func.func @transform_3(%arg0: i32) -> (i32, i32) {
    %c0_i32 = arith.constant 0 : i32
    %c0_i32_0 = arith.constant 0 : i32
    %c0_i32_1 = arith.constant 0 : i32
    return %c0_i32, %c0_i32_0 : i32, i32
  }
  func.func @transform_4(%arg0: i32) -> (i32, i32) {
    %c0_i32 = arith.constant 0 : i32
    %c0_i32_0 = arith.constant 0 : i32
    %c0_i32_1 = arith.constant 0 : i32
    return %c0_i32, %c0_i32_0 : i32, i32
  }
  func.func @transform_5(%arg0: i32) -> (i32, i32, i32) {
    %c0_i32 = arith.constant 0 : i32
    %c0_i32_0 = arith.constant 0 : i32
    %c0_i32_1 = arith.constant 0 : i32
    return %arg0, %c0_i32, %c0_i32_0 : i32, i32, i32
  }
}

</mosaic_0001>

<sc_bundles>
// kernel: kernel.5.cloned.1.call-start
scs
__scs_entry_jumppad:
0x0: {  	(pc) =	sbr.rel $0x88, $3  }
0x1: {  	(tag) =	ssettag $0x0;
	lr =	simm.s32 $0x1  }
0x2: {  	[smem:$0x3F9B] =	sst lr;
	_ =	strace $0xD0000000  }
0x3: {  	_ = 	snop  }
0x4: {  	_ = 	snop  }
0x5: {  	_ = 	snop  }
0x6: {  	_ = 	snop  }
0x7: {  	_ = 	snop  }
__scs_overlays_trampoline_lowered:
0x8: {  	[smem:$0x3FAA] =	sst s0  }
0x9: {  	[smem:$0x3FAB] =	sst s1  }
0xa: {  	[smem:$0x3FAC] =	sst s2  }
0xb: {  	[smem:$0x3FAD] =	sst s3  }
0xc: {  	[smem:$0x3FAE] =	sst s4  }
0xd: {  	[smem:$0x3FAF] =	sst s5  }
0xe: {  	[smem:$0x3FB0] =	sst s6  }
0xf: {  	[smem:$0x3FB1] =	sst s7  }
0x10: {  	[smem:$0x3FB2] =	sst s8  }
0x11: {  	[smem:$0x3FB3] =	sst s9;
	s0 =	simm.s32 @!p0 $0x0  }
0x12: {  	s1 =	sld [smem:$0x3F99];
	s0 =	simm.s32 @p0 $0x1  }
0x13: {  	[smem:$0x3FB4] =	sst s0;
	s0 =	simm.s32 @!p1 $0x0  }
0x14: {  	s2 =	sld [smem:$0x3F98];
	s0 =	simm.s32 @p1 $0x1  }
0x15: {  	[smem:$0x3FB5] =	sst s0;
	s0 =	simm.s32 @!p2 $0x0  }
0x16: {  	s3 =	sld [smem:$0x3FDB];
	s0 =	simm.s32 @p2 $0x1  }
0x17: {  	s4 =	simm.s32 $0x1BF5;
	[smem:$0x3FB7] =	sst s0  }
0x18: {  	s0 =	sld [smem:$0x3F9A];
	_ =	swait.ge [sflag:s4], $0x0  }
0x19: {  	s7 =	sld [smem:$0x3F9B]  }
0x1a: {  	s8 =	sadd.s32 $0xFFFFE003, lr  }
0x1b: {  	s9 =	sadd.s32 $0xFFFFFEF7, lr;
	s5 =	simm.s32 $0xFFFFFFFF;
	p2 =	slt.u32 s8, $0xFFFFF086  }
0x1c: {  	p1 =	slt.u32 s9, $0xF7A;
	s5 =	simm.s32 @!p2 $0x0  }
0x1d: {  	s5 =	simm.s32 @p1 $0x1;
	p0 =	seq.s32 s7, s2  }
0x1e: {  	s7 =	smul.u32 @!p0 $0xF7A, s2;
	p2 =	seq.s32 @!p0 s5, $0x0  }
0x1f: {  	s9 =	smul.u32 $0xF7A, s1;
	s8 =	simm.s32 @!p0 $0x1BF5;
	p2 =	por !p2, p0  }
0x20: {  	[sflag:s8] =	ssyncset.s32 @!p0 $0xFFFFF086;
	s6 =	sadd.s32 @!p0 s3, s7;
	s7 =	simm.s32 @!p0 $0x108  }
0x21: {  	s3 =	sadd.s32 s3, s9;
	s6 =	sadd.s32 @!p0 $0x88, s6;
	s7 =	simm.s32 @p2 $0x1082  }
0x22: {  	[simem:s7], [sflag:s8] =	dma.local @!p0 [hbm:s6], $0xF7A  }
0x23: {  	s9 =	sor.u32 $0xD0000000, s2;
	s6 =	simm.s32 $0x108;
	_ =	swait.ge @!p0 [sflag:s8], $0x0  }
0x24: {  	s3 =	sadd.s32 $0x88, s3;
	s6 =	simm.s32 @!p1 $0x1082;
	[sflag:s4] =	ssyncset.s32 $0xFFFFF086  }
0x25: {  	[simem:s6], [sflag:s4] =	dma.local [hbm:s3], $0xF7A  }
0x26: {  	[smem:$0x3F9B] =	sst s1;
	(tag) =	ssettag s2;
	_ =	strace s9  }
0x27: {  	s1 =	sld [smem:$0x3FAB]  }
0x28: {  	s2 =	sld [smem:$0x3FAC]  }
0x29: {  	s4 =	sld [smem:$0x3FAE]  }
0x2a: {  	p0 =	seq.s32 s5, $0x0;
	s5 =	sld [smem:$0x3FAF]  }
0x2b: {  	s6 =	sld [smem:$0x3FB0]  }
0x2c: {  	s7 =	sld [smem:$0x3FB1]  }
0x2d: {  	s3 =	simm.s32 $0x108;
	s8 =	sld [smem:$0x3FB2]  }
0x2e: {  	s3 =	simm.s32 @!p0 $0x1082;
	s9 =	sld [smem:$0x3FB3]  }
0x2f: {  	lr =	sadd.s32 s0, s3;
	s0 =	sld [smem:$0x3FAA]  }
0x30: {  	s3 =	sld [smem:$0x3FAD]  }
0x31: {  	[smem:$0x3FB6] =	sst s10  }
0x32: {  	s10 =	sld [smem:$0x3FB4];
	_ =	sdelay $0x3  }
0x33: {  	p0 =	seq.s32 s10, $0x1;
	s10 =	sld [smem:$0x3FB6];
	_ =	sdelay $0x3  }
0x34: {  	[smem:$0x3FB6] =	sst s10  }
0x35: {  	s10 =	sld [smem:$0x3FB5];
	_ =	sdelay $0x3  }
0x36: {  	p1 =	seq.s32 s10, $0x1;
	s10 =	sld [smem:$0x3FB6];
	_ =	sdelay $0x3  }
0x37: {  	[smem:$0x3FB6] =	sst s10  }
0x38: {  	s10 =	sld [smem:$0x3FB7]  }
0x39: {  	_ = 	snop;
	(pc) =	sbr.ind lr, $3  }
0x3a: {  	_ = 	snop  }
0x3b: {  	_ = 	snop  }
0x3c: {  	p2 =	seq.s32 s10, $0x1;
	s10 =	sld [smem:$0x3FB6]  }
0x3d: {  	_ =	shalt  }
0x3e: {  	_ =	shalt  }
0x3f: {  	_ =	shalt  }
0x40: {  	_ =	shalt  }
0x41: {  	_ =	shalt  }
0x42: {  	_ =	shalt  }
0x43: {  	_ =	shalt  }
0x44: {  	_ =	shalt  }
0x45: {  	_ =	shalt  }
0x46: {  	_ =	shalt  }
0x47: {  	_ =	shalt  }
0x48: {  	_ =	shalt  }
0x49: {  	_ =	shalt  }
0x4a: {  	_ =	shalt  }
0x4b: {  	_ =	shalt  }
0x4c: {  	_ =	shalt  }
0x4d: {  	_ =	shalt  }
0x4e: {  	_ =	shalt  }
0x4f: {  	_ =	shalt  }
0x50: {  	_ =	shalt  }
0x51: {  	_ =	shalt  }
0x52: {  	_ =	shalt  }
0x53: {  	_ =	shalt  }
0x54: {  	_ =	shalt  }
0x55: {  	_ =	shalt  }
0x56: {  	_ =	shalt  }
0x57: {  	_ =	shalt  }
0x58: {  	_ =	shalt  }
0x59: {  	_ =	shalt  }
0x5a: {  	_ =	shalt  }
0x5b: {  	_ =	shalt  }
0x5c: {  	_ =	shalt  }
0x5d: {  	_ =	shalt  }
0x5e: {  	_ =	shalt  }
0x5f: {  	_ =	shalt  }
0x60: {  	_ =	shalt  }
0x61: {  	_ =	shalt  }
0x62: {  	_ =	shalt  }
0x63: {  	_ =	shalt  }
0x64: {  	_ =	shalt  }
0x65: {  	_ =	shalt  }
0x66: {  	_ =	shalt  }
0x67: {  	_ =	shalt  }
0x68: {  	_ =	shalt  }
0x69: {  	_ =	shalt  }
0x6a: {  	_ =	shalt  }
0x6b: {  	_ =	shalt  }
0x6c: {  	_ =	shalt  }
0x6d: {  	_ =	shalt  }
0x6e: {  	_ =	shalt  }
0x6f: {  	_ =	shalt  }
0x70: {  	_ =	shalt  }
0x71: {  	_ =	shalt  }
0x72: {  	_ =	shalt  }
0x73: {  	_ =	shalt  }
0x74: {  	_ =	shalt  }
0x75: {  	_ =	shalt  }
0x76: {  	_ =	shalt  }
0x77: {  	_ =	shalt  }
0x78: {  	_ =	shalt  }
0x79: {  	_ =	shalt  }
0x7a: {  	_ =	shalt  }
0x7b: {  	_ =	shalt  }
0x7c: {  	_ =	shalt  }
0x7d: {  	_ =	shalt  }
0x7e: {  	_ =	shalt  }
0x7f: {  	_ =	shalt  }
0x80: {  	_ =	shalt  }
0x81: {  	_ =	shalt  }
0x82: {  	_ =	shalt  }
0x83: {  	_ =	shalt  }
0x84: {  	_ =	shalt  }
0x85: {  	_ =	shalt  }
0x86: {  	_ =	shalt  }
0x87: {  	_ =	shalt  }
.Lfunc_end0:
.L_simem_size_0:
called_computation_lowered:
.L_overlay_start_0:
0x88: {  	s2 =	sld [smem:$0x3FD9]  }
0x89: {  	s3 =	sld [smem:$0x3FFE];
	_ =	sdelay $0x1  }
0x8a: {  	s1 =	srdreg.scid  }
0x8b: {  	s0 =	sand.u32 $0x1, s1  }
0x8c: {  	s17 =	sshll.u32 s0, $0xA;
	s2 =	sadd.s32 s3, s2  }
0x8d: {  	s2 =	sadd.s32 s2, s17  }
0x8e: {  	[smem:$0x3FC2] =	sst s2  }
0x8f: {  	_ = 	snop  }
0x90: {  	s2 =	sld [smem:$0x3FD0];
	(tm) =	ssettm $0x1  }
0x91: {  	s18 =	sld [smem:$0x3FFB];
	_ =	sdelay $0x3  }
0x92: {  	_ =	strace s18  }
0x93: {  	s3 =	sld [smem:$0x3FFC];
	_ =	sdelay $0x3  }
0x94: {  	_ =	strace s3  }
0x95: {  	s3 =	sld [smem:$0x3FFD];
	_ =	sdelay $0x3  }
0x96: {  	_ =	strace s3  }
0x97: {  	_ =	strace $0x8FFFFFFF  }
0x98: {  	s19 =	sld [smem:$0x3FDB];
	_ =	sdelay $0x1  }
0x99: {  	s4 =	simm.s32 $_scs_section_size  }
0x9a: {  	s5 =	simm.s32 $_size__tile_overlayer_lowered;
	s6 =	simm.s32 $_tile_overlayer_lowered  }
0x9b: {  	s22 =	simm.s32 $0x1BFF;
	s21 =	sshll.u32 s6, $0x1;
	s3 =	sadd.s32 s4, s19  }
0x9c: {  	s7 =	simm.s32 $0x0;
	s20 =	sshll.u32 s5, $0x1;
	s5 =	sadd.s32 s21, s3  }
0x9d: {  	[timem:s7], [sflag:s22] =	dma.local [hbm:s5], s20  }
0x9e: {  	_ =	swait.ge [sflag:s22], s20  }
0x9f: {  	s4 =	ssub.s32 $0x0, s20;
	[sflag:s22] =	ssyncset.done $0x0  }
0xa0: {  	[sflag:s22] =	ssyncadd.s32 s4;
	_ =	sdelay $0x1  }
0xa1: {  	s23 =	simm.s32 $0x1B8B  }
0xa2: {  	_ =	swait.ge [sflag:s23], $0x1  }
0xa3: {  	[sflag:s23] =	ssyncset.done $0x0  }
0xa4: {  	s25 =	simm.s32 $0x1B8E;
	s24 =	sld [smem:$0x3FFE];
	[sflag:s23] =	ssyncadd.s32 $0xFFFFFFFF  }
0xa5: {  	s26 =	simm.s32 $execute0_lowered;
	[smem:$0x3FD2] =	sst s25  }
0xa6: {  	s5 =	sshll.u32 s26, $0x1;
	_ =	strace $0x80000046;
	[dreg:$0x1] =	wrdreg $0xFFFFFFFF  }
0xa7: {  	s28 =	simm.s32 $_size_execute0_lowered;
	s3 =	sadd.s32 s3, s5;
	[dreg:$0x0] =	wrdreg $0x0  }
0xa8: {  	s5 =	sshll.u32 s28, $0x1;
	[dreg:$0x2] =	wrdreg s3  }
0xa9: {  	[dreg:$0x3] =	wrdreg s5  }
0xaa: {  	[dreg:$0x4] =	wrdreg $0xC0  }
0xab: {  	_ =	task [dreg:s7], $0x5FFFF  }
0xac: {  	[dreg:$0x1] =	wrdreg $0xFFFFFFFF  }
0xad: {  	[dreg:$0x0] =	wrdreg $0x60  }
0xae: {  	[dreg:$0x2] =	wrdreg s24  }
0xaf: {  	[dreg:$0x3] =	wrdreg s2  }
0xb0: {  	[dreg:$0x4] =	wrdreg $0x9  }
0xb1: {  	_ =	task.clear_ibuf [dreg:s7], $0x5FFFF;
	_ =	strace $0x90000046  }
0xb2: {  	s29 =	simm.s32 $0x9;
	_ =	strace $0x80000048  }
0xb3: {  	_ =	swait.ge [sflag:s29], $0x1  }
0xb4: {  	[sflag:s29] =	ssyncadd.s32 $0xFFFFFFFF  }
0xb5: {  	_ =	strace $0x90000048  }
0xb6: {  	_ =	sfence  }
0xb7: {  	s30 =	sld [smem:$0x0];
	_ =	sdelay $0x2  }
0xb8: {  	s31 =	sshll.u32 s1, $0xD;
	s1 =	sshrl.u32 s1, $0x2  }
0xb9: {  	s3 =	sand.u32 $0x4000, s31;
	s1 =	sadd.s32 s1, s30  }
0xba: {  	s0 =	sor.u32 s3, s0;
	s1 =	sshll.u32 s1, $0x11  }
0xbb: {  	s0 =	sor.u32 s1, s0  }
0xbc: {  	s0 =	sadd.s32 $0x8F2B, s0  }
0xbd: {  	[sflag:s0] =	ssyncadd.remote.s32 $0x1  }
0xbe: {  	_ =	sfence.sel $0xFFFF  }
0xbf: {  	[dreg:$0x0] =	wrdreg $0xFFFFFFFF;
	(pc) =	sbr.abs _section_cstart, $3  }
0xc0: {  	[dreg:$0x1] =	wrdreg $0xFFFFFFFF  }
0xc1: {  	_ =	task.clear_ibuf [dreg:s7], $0x2FFFF;
	_ =	strace $0x9FFFFFFF  }
0xc2: {  	(tm) =	ssettm $0x7FFFFFFF  }
0xc3: {  	_ =	shalt  }
tec
execute0_lowered:
.L_overlay_start_1:
0x0: {  	(tag) =	ssettag $0x1  }
0x1: {  	s0 =	rddreg [dreg:$0x0]  }
0x2: {  	s1 =	rddreg [dreg:$0x1]  }
0x3: {  	s2 =	simm.s32 $0x0;
	s9 =	stileid.u32;
	s5 =	srdreg.scid  }
0x4: {  	s16 =	simm.s32 $0xA00;
	s17 =	simm.s32 $0x1200;
	s18 =	simm.s32 $0x1A00  }
0x5: {  	s19 =	simm.s32 $0x2200;
	s20 =	simm.s32 $0x2A00;
	s21 =	simm.s32 $0x3200  }
0x6: {  	s23 =	simm.s32 $0x3A00;
	s24 =	simm.s32 $0x4200;
	s25 =	simm.s32 $0x4A00  }
0x7: {  	s26 =	simm.s32 $0x5200;
	s10 =	simm.s32 $0x200;
	[smem:$0x7FF] =	sst s2  }
0x8: {  	s11 =	simm.s32 $0x5A00;
	_ =	strace $0x80000047;
	[dreg:$0x4] =	wrdreg s16  }
0x9: {  	s12 =	simm.s32 $0x6200;
	s13 =	simm.s32 $0x6A00;
	[dreg:$0x5] =	wrdreg s17  }
0xa: {  	s28 =	simm.s32 $0xDA00;
	s29 =	simm.s32 $0xE200;
	[dreg:$0x6] =	wrdreg s18  }
0xb: {  	s30 =	simm.s32 $0xEA00;
	s31 =	simm.s32 $0xF200;
	[dreg:$0x7] =	wrdreg s19  }
0xc: {  	s4 =	sshll.u32 s9, $0x4;
	s3 =	sadd.s32 $0xC00, s0;
	[dreg:$0x8] =	wrdreg s20  }
0xd: {  	s6 =	sand.u32 $0x1, s5;
	s14 =	sshll.u32 s9, $0xF;
	[dreg:$0x9] =	wrdreg s21  }
0xe: {  	s15 =	sshll.u32 s9, $0x6;
	s5 =	sshll.u32 s5, $0xA;
	[dreg:$0xa] =	wrdreg s23  }
0xf: {  	s9 =	simm.s32 $0x1;
	s4 =	sand.u32 $0x70, s4;
	[dreg:$0xb] =	wrdreg s24  }
0x10: {  	s7 =	ssub.s32 $0x2, s6;
	s6 =	sshll.u32 s6, $0x13;
	[dreg:$0xc] =	wrdreg s25  }
0x11: {  	s5 =	sor.u32 s15, s5;
	[dreg:$0xd] =	wrdreg s26;
	s15 =	simm.s32 $0x7A00  }
0x12: {  	s16 =	simm.s32 $0x8200;
	s17 =	simm.s32 $0x8A00;
	s18 =	simm.s32 $0x9200  }
0x13: {  	s19 =	simm.s32 $0x9A00;
	s20 =	simm.s32 $0xA200;
	s21 =	simm.s32 $0xAA00  }
0x14: {  	s23 =	simm.s32 $0xBA00;
	s24 =	simm.s32 $0xC200;
	s25 =	simm.s32 $0xCA00  }
0x15: {  	s26 =	simm.s32 $0xD200;
	s4 =	sadd.s32 s4, s0;
	s8 =	sshrl.u32 s7, $0x1  }
0x16: {  	s1 =	sadd.s32 s6, s1;
	s5 =	sand.u32 $0x600, s5;
	s7 =	ssub.s32 s7, s8  }
0x17: {  	s1 =	sadd.s32 s14, s1;
	s4 =	sadd.s32 s5, s4;
	s5 =	sadd.s32 $0xD00, s0  }
0x18: {  	v2 =	vlaneseq.u32;
	s14 =	simm.s32 $0x7200;
	[dreg:$0x3] =	wrdreg s1;
	s4 =	sadd.s32 $0x80C00, s4  }
0x19: {  	vm0 =	vmmov $0xffff;
	v1 =	vshrl.u32 v2, $0x3;
	s0 =	simm.s32 $0xFA00;
	s22 =	smax.u32 s7, $0x1;
	[dreg:$0xe] =	wrdreg s4  }
0x1a: {  	v0 =	vand.u32 $0x7, v2;
	v2 =	vor.u32 $0x8, v2;
	v1 =	vmul.u32 $0x8, v1;
	s1 =	simm.s32 $0x0;
	[dreg:$0xf] =	wrdreg s22;
	s22 =	simm.s32 $0xB200  }
.LBB2_1:
0x1b: {  	s4 =	rddreg [dreg:$0xe];
	s6 =	simm.s32 $0x80;
	s7 =	simm.s32 $0x400  }
0x1c: {  	[tilespmem:s2], [sflag:$0x1] =	stream.strided.gather [hbm4b:s4+s6], $0x200, s7, s6, $0x38;
	[tilespmem:$0x10200] =	vst v63  }
0x1d: {  	_ =	swait.ge [sflag:s9], $0x200  }
0x1e: {  	[sflag:s9] =	ssyncset.done $0x0  }
0x1f: {  	s8 =	simm.s32 $0x0;
	s7 =	simm.s32 $0x40;
	[sflag:s9] =	ssyncadd.s32 $0xFFFFFE00  }
.LBB2_2:
0x20: {  	v3 =	vld [tilespmem:s7+$0xFFFFFFC0];
	_ =	sdelay $0x4  }
0x21: {  	v4 =	vshll.u32 v3, $0x2  }
0x22: {  	v3 =	vand.u32 $0x7, v3;
	v4 =	vand.u32 $0xFFFFFFE0, v4  }
0x23: {  	v3 =	vor.u32 v3, v4  }
0x24: {  	v4 =	vperm.xlane v3, v0;
	_ =	sdelay $0x1  }
0x25: {  	v4 =	vadd.s32 v1, v4;
	_ =	sdelay $0x1  }
0x26: {  	v3 =	vperm.xlane v3, v2;
	_ =	sdelay $0x1  }
0x27: {  	v3 =	vadd.s32 v1, v3  }
0x28: {  	[tilespmem:s10], [sflag:$0x1] =	stream.indirect_vreg.gather [hbm4b:s3+s2], $0x80, v4, vm0, $0xb8;
	[tilespmem:$0x10200] =	vst v63  }
0x29: {  	s4 =	rddreg [dreg:$0x4]  }
0x2a: {  	[tilespmem:s4], [sflag:$0x1] =	stream.indirect_vreg.gather [hbm4b:s5+s2], $0x80, v4, vm0, $0xb8;
	[tilespmem:$0x10200] =	vst v63  }
0x2b: {  	s6 =	rddreg [dreg:$0x5]  }
0x2c: {  	[tilespmem:s6], [sflag:$0x1] =	stream.indirect_vreg.gather [hbm4b:s3+s2], $0x80, v3, vm0, $0xb8;
	[tilespmem:$0x10200] =	vst v63  }
0x2d: {  	s4 =	rddreg [dreg:$0x6]  }
0x2e: {  	[tilespmem:s4], [sflag:$0x1] =	stream.indirect_vreg.gather [hbm4b:s5+s2], $0x80, v3, vm0, $0xb8;
	[tilespmem:$0x10200] =	vst v63  }
0x2f: {  	v3 =	vld [tilespmem:s7+$0xFFFFFFD0];
	_ =	sdelay $0x4  }
0x30: {  	v57 =	vshll.u32 v3, $0x2  }
0x31: {  	v3 =	vand.u32 $0x7, v3;
	v4 =	vand.u32 $0xFFFFFFE0, v57  }
0x32: {  	v3 =	vor.u32 v3, v4  }
0x33: {  	v4 =	vperm.xlane v3, v0;
	_ =	sdelay $0x1  }
0x34: {  	v4 =	vadd.s32 v1, v4;
	_ =	sdelay $0x1  }
0x35: {  	v3 =	vperm.xlane v3, v2;
	_ =	sdelay $0x1  }
0x36: {  	s4 =	rddreg [dreg:$0x7];
	v3 =	vadd.s32 v1, v3  }
0x37: {  	[tilespmem:s4], [sflag:$0x1] =	stream.indirect_vreg.gather [hbm4b:s3+s2], $0x80, v4, vm0, $0xb8;
	[tilespmem:$0x10200] =	vst v63  }
0x38: {  	s6 =	rddreg [dreg:$0x8]  }
0x39: {  	[tilespmem:s6], [sflag:$0x1] =	stream.indirect_vreg.gather [hbm4b:s5+s2], $0x80, v4, vm0, $0xb8;
	[tilespmem:$0x10200] =	vst v63  }
0x3a: {  	s4 =	rddreg [dreg:$0x9]  }
0x3b: {  	[tilespmem:s4], [sflag:$0x1] =	stream.indirect_vreg.gather [hbm4b:s3+s2], $0x80, v3, vm0, $0xb8;
	[tilespmem:$0x10200] =	vst v63  }
0x3c: {  	s6 =	rddreg [dreg:$0xa]  }
0x3d: {  	[tilespmem:s6], [sflag:$0x1] =	stream.indirect_vreg.gather [hbm4b:s5+s2], $0x80, v3, vm0, $0xb8;
	[tilespmem:$0x10200] =	vst v63  }
0x3e: {  	v3 =	vld [tilespmem:s7+$0xFFFFFFE0];
	_ =	sdelay $0x4  }
0x3f: {  	v58 =	vshll.u32 v3, $0x2  }
0x40: {  	v3 =	vand.u32 $0x7, v3;
	v4 =	vand.u32 $0xFFFFFFE0, v58  }
0x41: {  	v3 =	vor.u32 v3, v4  }
0x42: {  	v4 =	vperm.xlane v3, v0;
	_ =	sdelay $0x1  }
0x43: {  	v4 =	vadd.s32 v1, v4;
	_ =	sdelay $0x1  }
0x44: {  	v3 =	vperm.xlane v3, v2;
	_ =	sdelay $0x1  }
0x45: {  	s4 =	rddreg [dreg:$0xb];
	v3 =	vadd.s32 v1, v3  }
0x46: {  	[tilespmem:s4], [sflag:$0x1] =	stream.indirect_vreg.gather [hbm4b:s3+s2], $0x80, v4, vm0, $0xb8;
	[tilespmem:$0x10200] =	vst v63  }
0x47: {  	s6 =	rddreg [dreg:$0xc]  }
0x48: {  	[tilespmem:s6], [sflag:$0x1] =	stream.indirect_vreg.gather [hbm4b:s5+s2], $0x80, v4, vm0, $0xb8;
	[tilespmem:$0x10200] =	vst v63  }
0x49: {  	s4 =	rddreg [dreg:$0xd]  }
0x4a: {  	[tilespmem:s4], [sflag:$0x1] =	stream.indirect_vreg.gather [hbm4b:s3+s2], $0x80, v3, vm0, $0xb8;
	[tilespmem:$0x10200] =	vst v63  }
0x4b: {  	_ = 	snop  }
0x4c: {  	[tilespmem:s11], [sflag:$0x1] =	stream.indirect_vreg.gather [hbm4b:s5+s2], $0x80, v3, vm0, $0xb8;
	[tilespmem:$0x10200] =	vst v63  }
0x4d: {  	v3 =	vld [tilespmem:s7+$0xFFFFFFF0];
	_ =	sdelay $0x4  }
0x4e: {  	v59 =	vshll.u32 v3, $0x2  }
0x4f: {  	v3 =	vand.u32 $0x7, v3;
	v4 =	vand.u32 $0xFFFFFFE0, v59  }
0x50: {  	v3 =	vor.u32 v3, v4  }
0x51: {  	v4 =	vperm.xlane v3, v0;
	_ =	sdelay $0x1  }
0x52: {  	v4 =	vadd.s32 v1, v4;
	_ =	sdelay $0x1  }
0x53: {  	v3 =	vperm.xlane v3, v2;
	_ =	sdelay $0x1  }
0x54: {  	v3 =	vadd.s32 v1, v3  }
0x55: {  	[tilespmem:s12], [sflag:$0x1] =	stream.indirect_vreg.gather [hbm4b:s3+s2], $0x80, v4, vm0, $0xb8;
	[tilespmem:$0x10200] =	vst v63  }
0x56: {  	_ = 	snop  }
0x57: {  	[tilespmem:s13], [sflag:$0x1] =	stream.indirect_vreg.gather [hbm4b:s5+s2], $0x80, v4, vm0, $0xb8;
	[tilespmem:$0x10200] =	vst v63  }
0x58: {  	_ = 	snop  }
0x59: {  	[tilespmem:s14], [sflag:$0x1] =	stream.indirect_vreg.gather [hbm4b:s3+s2], $0x80, v3, vm0, $0xb8;
	[tilespmem:$0x10200] =	vst v63  }
0x5a: {  	_ = 	snop  }
0x5b: {  	[tilespmem:s15], [sflag:$0x1] =	stream.indirect_vreg.gather [hbm4b:s5+s2], $0x80, v3, vm0, $0xb8;
	[tilespmem:$0x10200] =	vst v63  }
0x5c: {  	v3 =	vld [tilespmem:s7+$0x0];
	_ =	sdelay $0x4  }
0x5d: {  	v60 =	vshll.u32 v3, $0x2  }
0x5e: {  	v3 =	vand.u32 $0x7, v3;
	v4 =	vand.u32 $0xFFFFFFE0, v60  }
0x5f: {  	v3 =	vor.u32 v3, v4  }
0x60: {  	v4 =	vperm.xlane v3, v0;
	_ =	sdelay $0x1  }
0x61: {  	v4 =	vadd.s32 v1, v4;
	_ =	sdelay $0x1  }
0x62: {  	v3 =	vperm.xlane v3, v2;
	_ =	sdelay $0x1  }
0x63: {  	v3 =	vadd.s32 v1, v3  }
0x64: {  	[tilespmem:s16], [sflag:$0x1] =	stream.indirect_vreg.gather [hbm4b:s3+s2], $0x80, v4, vm0, $0xb8;
	[tilespmem:$0x10200] =	vst v63  }
0x65: {  	_ = 	snop  }
0x66: {  	[tilespmem:s17], [sflag:$0x1] =	stream.indirect_vreg.gather [hbm4b:s5+s2], $0x80, v4, vm0, $0xb8;
	[tilespmem:$0x10200] =	vst v63  }
0x67: {  	_ = 	snop  }
0x68: {  	[tilespmem:s18], [sflag:$0x1] =	stream.indirect_vreg.gather [hbm4b:s3+s2], $0x80, v3, vm0, $0xb8;
	[tilespmem:$0x10200] =	vst v63  }
0x69: {  	_ = 	snop  }
0x6a: {  	[tilespmem:s19], [sflag:$0x1] =	stream.indirect_vreg.gather [hbm4b:s5+s2], $0x80, v3, vm0, $0xb8;
	[tilespmem:$0x10200] =	vst v63  }
0x6b: {  	v3 =	vld [tilespmem:s7+$0x10];
	_ =	sdelay $0x4  }
0x6c: {  	v61 =	vshll.u32 v3, $0x2  }
0x6d: {  	v3 =	vand.u32 $0x7, v3;
	v4 =	vand.u32 $0xFFFFFFE0, v61  }
0x6e: {  	v3 =	vor.u32 v3, v4  }
0x6f: {  	v4 =	vperm.xlane v3, v0;
	_ =	sdelay $0x1  }
0x70: {  	v4 =	vadd.s32 v1, v4;
	_ =	sdelay $0x1  }
0x71: {  	v3 =	vperm.xlane v3, v2;
	_ =	sdelay $0x1  }
0x72: {  	v3 =	vadd.s32 v1, v3  }
0x73: {  	[tilespmem:s20], [sflag:$0x1] =	stream.indirect_vreg.gather [hbm4b:s3+s2], $0x80, v4, vm0, $0xb8;
	[tilespmem:$0x10200] =	vst v63  }
0x74: {  	_ = 	snop  }
0x75: {  	[tilespmem:s21], [sflag:$0x1] =	stream.indirect_vreg.gather [hbm4b:s5+s2], $0x80, v4, vm0, $0xb8;
	[tilespmem:$0x10200] =	vst v63  }
0x76: {  	_ = 	snop  }
0x77: {  	[tilespmem:s22], [sflag:$0x1] =	stream.indirect_vreg.gather [hbm4b:s3+s2], $0x80, v3, vm0, $0xb8;
	[tilespmem:$0x10200] =	vst v63  }
0x78: {  	_ = 	snop  }
0x79: {  	[tilespmem:s23], [sflag:$0x1] =	stream.indirect_vreg.gather [hbm4b:s5+s2], $0x80, v3, vm0, $0xb8;
	[tilespmem:$0x10200] =	vst v63  }
0x7a: {  	v3 =	vld [tilespmem:s7+$0x20];
	_ =	sdelay $0x4  }
0x7b: {  	v62 =	vshll.u32 v3, $0x2  }
0x7c: {  	v3 =	vand.u32 $0x7, v3;
	v4 =	vand.u32 $0xFFFFFFE0, v62  }
0x7d: {  	v3 =	vor.u32 v3, v4  }
0x7e: {  	v4 =	vperm.xlane v3, v0;
	_ =	sdelay $0x1  }
0x7f: {  	v4 =	vadd.s32 v1, v4;
	_ =	sdelay $0x1  }
0x80: {  	v3 =	vperm.xlane v3, v2;
	_ =	sdelay $0x1  }
0x81: {  	v3 =	vadd.s32 v1, v3  }
0x82: {  	[tilespmem:s24], [sflag:$0x1] =	stream.indirect_vreg.gather [hbm4b:s3+s2], $0x80, v4, vm0, $0xb8;
	[tilespmem:$0x10200] =	vst v63  }
0x83: {  	_ = 	snop  }
0x84: {  	[tilespmem:s25], [sflag:$0x1] =	stream.indirect_vreg.gather [hbm4b:s5+s2], $0x80, v4, vm0, $0xb8;
	[tilespmem:$0x10200] =	vst v63  }
0x85: {  	_ = 	snop  }
0x86: {  	[tilespmem:s26], [sflag:$0x1] =	stream.indirect_vreg.gather [hbm4b:s3+s2], $0x80, v3, vm0, $0xb8;
	[tilespmem:$0x10200] =	vst v63  }
0x87: {  	_ = 	snop  }
0x88: {  	[tilespmem:s28], [sflag:$0x1] =	stream.indirect_vreg.gather [hbm4b:s5+s2], $0x80, v3, vm0, $0xb8;
	[tilespmem:$0x10200] =	vst v63  }
0x89: {  	v3 =	vld [tilespmem:s7+$0x30];
	_ =	sdelay $0x4  }
0x8a: {  	v63 =	vshll.u32 v3, $0x2  }
0x8b: {  	v3 =	vand.u32 $0x7, v3;
	v4 =	vand.u32 $0xFFFFFFE0, v63  }
0x8c: {  	v3 =	vor.u32 v3, v4  }
0x8d: {  	v4 =	vperm.xlane v3, v0;
	_ =	sdelay $0x1  }
0x8e: {  	v4 =	vadd.s32 v1, v4;
	_ =	sdelay $0x1  }
0x8f: {  	v3 =	vperm.xlane v3, v2;
	_ =	sdelay $0x1  }
0x90: {  	v3 =	vadd.s32 v1, v3  }
0x91: {  	[tilespmem:s29], [sflag:$0x1] =	stream.indirect_vreg.gather [hbm4b:s3+s2], $0x80, v4, vm0, $0xb8;
	[tilespmem:$0x10200] =	vst v63  }
0x92: {  	_ = 	snop  }
0x93: {  	[tilespmem:s30], [sflag:$0x1] =	stream.indirect_vreg.gather [hbm4b:s5+s2], $0x80, v4, vm0, $0xb8;
	[tilespmem:$0x10200] =	vst v63  }
0x94: {  	_ = 	snop  }
0x95: {  	[tilespmem:s31], [sflag:$0x1] =	stream.indirect_vreg.gather [hbm4b:s3+s2], $0x80, v3, vm0, $0xb8;
	[tilespmem:$0x10200] =	vst v63  }
0x96: {  	_ = 	snop  }
0x97: {  	[tilespmem:s0], [sflag:$0x1] =	stream.indirect_vreg.gather [hbm4b:s5+s2], $0x80, v3, vm0, $0xb8;
	[tilespmem:$0x10200] =	vst v63  }
0x98: {  	_ =	swait.ge [sflag:s9], $0x10000  }
0x99: {  	p0 =	sne.s32 s8, $0x6000;
	s6 =	rddreg [dreg:$0x3];
	[sflag:s9] =	ssyncset.done $0x0  }
.Ltmp0:
0x9a: {  	[sflag:s9] =	ssyncadd.s32 $0xFFFF0000;
	s4 =	sadd.s32 s8, s6;
	(pc) =	sbr.rel @p0 .LBB2_2-.Ltmp0, $4  }
0x9b: {  	[hbm4b:s4+s2] =	stream.linear.scatter [tilespmem:s10], [sflag:$0x1], $0x10000, $0x38;
	[tilespmem:$0x10200] =	vst v63  }
0x9c: {  	_ =	swait.ge [sflag:s9], $0x10000  }
0x9d: {  	[sflag:s9] =	ssyncset.done $0x0  }
0x9e: {  	s7 =	sadd.s32 $0x80, s7;
	s8 =	sadd.s32 $0x2000, s8;
	[sflag:s9] =	ssyncadd.s32 $0xFFFF0000  }
0x9f: {  	s1 =	sadd.s32 $0x1, s1;
	s4 =	rddreg [dreg:$0xf]  }
0xa0: {  	p0 =	sne.s32 s1, s4  }
.Ltmp1:
0xa1: {  	_ = 	snop;
	(pc) =	sbr.rel @p0 .LBB2_1-.Ltmp1, $1  }
0xa2: {  	_ =	sdelay $0x3  }
0xa3: {  	_ =	sfence.sel $0x180000  }
0xa4: {  	[bflag:$0x0] =	sbarrier.arrive $0xFFFF  }
0xa5: {  	_ =	strace $0x90000047  }
0xa6: {  	s0 =	stileid.u32;
	[bflag:$0x2] =	sbarrier.arrive $0xFFFF  }
0xa7: {  	p0 =	sne.s32 s0, $0x0;
	s0 =	rddreg [dreg:$0x2]  }
0xa8: {  	s0 =	sadd.s32 @!p0 $0x100000, s0  }
0xa9: {  	[sflag:s0] =	ssyncadd.tile.s32 @!p0 $0x1;
	_ =	shalt  }
.Lfunc_end2:
_tile_overlayer_lowered:
.L_overlay_start_2:
0xaa: {  	(tag) =	ssettag $0x2  }
0xab: {  	s0 =	rddreg [dreg:$0x0];
	s2 =	stileid.u32  }
0xac: {  	s1 =	rddreg [dreg:$0x1];
	p0 =	sne.s32 s2, $0x0  }
0xad: {  	s3 =	rddreg [dreg:$0x2];
	[bflag:$0x3] =	sbarrier.arrive $0xFFFF;
	s2 =	simm.s32 @!p0 $0x1C01  }
0xae: {  	[timem:s3], [sflag:s2] =	dma.local @!p0 [hbm:s0], s1  }
0xaf: {  	s0 =	simm.s32 @!p0 $0x1  }
0xb0: {  	_ =	swait.ge @!p0 [sflag:s0], s1  }
0xb1: {  	s1 =	ssub.s32 @!p0 $0x0, s1;
	[sflag:s0] =	ssyncset.done @!p0 $0x0  }
0xb2: {  	[sflag:s0] =	ssyncadd.s32 @!p0 s1  }
0xb3: {  	[bflag:$0x3] =	sbarrier.arrive $0xFFFF  }
0xb4: {  	_ =	shalt  }

</sc_bundles>
